<compile_context>
chip_gen: v7x
topology: tpu7x:2x2x1
jax: 0.10.2.dev20260603
libtpu: 0.0.44.dev20260713+nightly
codegen_flags: <defaults>
</compile_context>

<pallas_src>
import jax
import jax.numpy as jnp
from jax.experimental import pallas as pl

_K = 500
_C = 768
_TS = 512


def _body(x_ref, wte_ref, out_e_ref, out_s_ref, out_i_ref, out_r_ref):
    w = wte_ref[...]
    w_sq = jnp.sum(w * w, axis=1, keepdims=True)
    wn = w * jax.lax.rsqrt(jnp.maximum(w_sq, 1e-12))

    x = x_ref[...]
    x_sq = jnp.sum(x * x, axis=1, keepdims=True)
    xn = x * jax.lax.rsqrt(jnp.maximum(x_sq, 1e-12))

    sims = jnp.dot(xn, wn.T, preferred_element_type=jnp.float32)
    out_s_ref[...] = sims

    m = jnp.max(sims, axis=1, keepdims=True)
    iota_k = jax.lax.broadcasted_iota(jnp.int32, sims.shape, 1)
    idx = jnp.min(jnp.where(sims == m, iota_k, _K), axis=1, keepdims=True)
    out_i_ref[...] = idx

    onehot = (iota_k == idx).astype(jnp.float32)
    sel = jnp.dot(onehot, w, preferred_element_type=jnp.float32)
    out_e_ref[...] = sel + x

    @pl.when(pl.program_id(0) == 0)
    def _init():
        out_r_ref[...] = jnp.zeros_like(out_r_ref)

    out_r_ref[...] += jnp.sum(m).reshape(1, 1)


def kernel(x_embed, wte):
    B, S, C = x_embed.shape
    n_tok = B * S
    x_flat = x_embed.reshape(n_tok, C)
    grid = (n_tok // _TS,)

    out_e, out_s, out_i, out_r = pl.pallas_call(
        _body,
        grid=grid,
        in_specs=[
            pl.BlockSpec((_TS, C), lambda i: (i, 0)),
            pl.BlockSpec((_K, C), lambda i: (0, 0)),
        ],
        out_specs=[
            pl.BlockSpec((_TS, C), lambda i: (i, 0)),
            pl.BlockSpec((_TS, _K), lambda i: (i, 0)),
            pl.BlockSpec((_TS, 1), lambda i: (i, 0)),
            pl.BlockSpec((1, 1), lambda i: (0, 0)),
        ],
        out_shape=[
            jax.ShapeDtypeStruct((n_tok, C), jnp.float32),
            jax.ShapeDtypeStruct((n_tok, _K), jnp.float32),
            jax.ShapeDtypeStruct((n_tok, 1), jnp.int32),
            jax.ShapeDtypeStruct((1, 1), jnp.float32),
        ],
    )(x_flat, wte)

    prompted_embedding = out_e.reshape(B, S, C)
    similarity = out_s.reshape(B, S, _K)
    idx = out_i.reshape(B, S, 1)
    reduce_sim = out_r[0, 0] / jnp.float32(B)
    return prompted_embedding, reduce_sim, similarity, idx

# --- scband reference (transcript-rebuilt; emitter-appended) ---
"""Pipeline reference for scband-prompt-24678882082863 (READ-ONLY COPY).

The authoritative reference and input builder live on the scoring server;
editing this copy changes nothing except your own understanding.
"""

import jax, jax.numpy as jnp
import numpy as np


def l2_normalize(x, axis, epsilon=1e-12):
    square_sum = jnp.sum(x ** 2, axis=axis, keepdims=True)
    x_inv_norm = jax.lax.rsqrt(jnp.maximum(square_sum, epsilon))
    return x * x_inv_norm


def setup_inputs(seed: int = 0) -> dict:
    key = jax.random.key(seed)
    k1, k2 = jax.random.split(key)
    x_embed = jax.random.normal(k1, (4, 8192, 768), dtype=jnp.float32)
    # stand-in for torch.load('./word_embedding_representation_500.pt'): [500, 768]
    wte = jax.random.normal(k2, (500, 768), dtype=jnp.float32)
    return {"x_embed": x_embed, "wte": wte}


def reference(x_embed, wte):
    top_k = 1
    prompt_key = wte
    prompt_norm = l2_normalize(prompt_key, axis=1)           # [K, C]
    x_embed_norm = l2_normalize(x_embed, axis=2)             # [B, S, C]
    similarity = jnp.einsum('bsc,kc->bsk', x_embed_norm, prompt_norm)  # [B, S, K]
    _, idx = jax.lax.top_k(similarity, top_k)                # [B, S, top_k]
    batched_prompt_raw = prompt_key[idx][:, :, :, None, :]   # [B, S, top_k, 1, C]
    B, S, k, L, C = batched_prompt_raw.shape
    selected_wte = wte[idx]                                  # [B, S, top_k, C]
    batched_prompt = selected_wte.reshape(B, S * k * L, C)   # [B, S, C] since k=L=1
    batched_key_norm = prompt_norm[idx]                      # [B, S, top_k, C]
    x_norm_e = x_embed_norm[:, :, None, :]                   # [B, S, 1, C]
    sim = batched_key_norm * x_norm_e
    reduce_sim = jnp.sum(sim) / (x_embed.shape[0] * top_k)
    prompted_embedding = batched_prompt + x_embed
    return prompted_embedding, reduce_sim, similarity, idx

if __name__ == "__main__":
    import jax
    _d = setup_inputs()
    print(jax.jit(kernel)(*tuple(_d.values())))

</pallas_src>

<mosaic_0001>
module attributes {stable_mosaic.version = 14 : i64} {
  func.func @_body(%arg0: i32, %arg1: memref<512x768xf32, #tpu.memory_space<vmem>>, %arg2: memref<500x768xf32, #tpu.memory_space<vmem>>, %arg3: memref<512x768xf32, #tpu.memory_space<vmem>>, %arg4: memref<512x500xf32, #tpu.memory_space<vmem>>, %arg5: memref<512x1xi32, #tpu.memory_space<vmem>>, %arg6: memref<1x1xf32, #tpu.memory_space<vmem>>) attributes {dimension_semantics = [#tpu.dimension_semantics<arbitrary>], iteration_bounds = array<i64: 64>, scalar_prefetch = 0 : i64, scratch_operands = 0 : i64, tpu.core_type = #tpu.core_type<tc>, window_params = [{transform_indices = @transform_0, window_bounds = array<i64: 512, 768>}, {pipeline_mode = #tpu.pipeline_mode<synchronous>, transform_indices = @transform_1, window_bounds = array<i64: 500, 768>}, {transform_indices = @transform_2, window_bounds = array<i64: 512, 768>}, {transform_indices = @transform_3, window_bounds = array<i64: 512, 500>}, {transform_indices = @transform_4, window_bounds = array<i64: 512, 1>}, {pipeline_mode = #tpu.pipeline_mode<synchronous>, transform_indices = @transform_5, window_bounds = array<i64: 1, 1>}]} {
    %get3A = arith.constant 0 : index
    %get3A_0 = arith.constant 0 : index
    %get3A_1 = vector.load %arg2[%get3A, %get3A_0] : memref<500x768xf32, #tpu.memory_space<vmem>>, vector<500x768xf32>
    %mul3A = arith.mulf %get3A_1, %get3A_1 : vector<500x768xf32>
    %reduce_sum3A = arith.constant dense<0.000000e+00> : vector<500xf32>
    %reduce_sum3A_2 = vector.multi_reduction <add>, %mul3A, %reduce_sum3A [1] : vector<500x768xf32> to vector<500xf32>
    %broadcast_in_dim3A = vector.shape_cast %reduce_sum3A_2 : vector<500xf32> to vector<500x1xf32>
    %max3A = arith.constant 9.99999996E-13 : f32
    %max3A_3 = vector.broadcast %max3A : f32 to vector<500x1xf32>
    %max3A_4 = arith.maximumf %broadcast_in_dim3A, %max3A_3 : vector<500x1xf32>
    %rsqrt3A = math.rsqrt %max3A_4 : vector<500x1xf32>
    %mul3A_5 = vector.broadcast %rsqrt3A : vector<500x1xf32> to vector<500x768xf32>
    %mul3A_6 = arith.mulf %get3A_1, %mul3A_5 : vector<500x768xf32>
    %get3A_7 = arith.constant 0 : index
    %get3A_8 = arith.constant 0 : index
    %get3A_9 = vector.load %arg1[%get3A_7, %get3A_8] : memref<512x768xf32, #tpu.memory_space<vmem>>, vector<512x768xf32>
    %mul3A_10 = arith.mulf %get3A_9, %get3A_9 : vector<512x768xf32>
    %reduce_sum3A_11 = arith.constant dense<0.000000e+00> : vector<512xf32>
    %reduce_sum3A_12 = vector.multi_reduction <add>, %mul3A_10, %reduce_sum3A_11 [1] : vector<512x768xf32> to vector<512xf32>
    %broadcast_in_dim3A_13 = vector.shape_cast %reduce_sum3A_12 : vector<512xf32> to vector<512x1xf32>
    %max3A_14 = arith.constant 9.99999996E-13 : f32
    %max3A_15 = vector.broadcast %max3A_14 : f32 to vector<512x1xf32>
    %max3A_16 = arith.maximumf %broadcast_in_dim3A_13, %max3A_15 : vector<512x1xf32>
    %rsqrt3A_17 = math.rsqrt %max3A_16 : vector<512x1xf32>
    %mul3A_18 = vector.broadcast %rsqrt3A_17 : vector<512x1xf32> to vector<512x768xf32>
    %mul3A_19 = arith.mulf %get3A_9, %mul3A_18 : vector<512x768xf32>
    %transpose3A = tpu.transpose %mul3A_6, [1, 0] : vector<500x768xf32> -> vector<768x500xf32>
    %dot_general3A = arith.constant dense<0.000000e+00> : vector<512x500xf32>
    %dot_general3A_20 = tpu.matmul %mul3A_19, %transpose3A, %dot_general3A {dimension_numbers = #tpu.dot_dimension_numbers<[1], [0], [0], [1], [0, 0, 1, 1], [], []>, transpose_lhs_hint = false} : vector<512x768xf32>, vector<768x500xf32>, vector<512x500xf32> -> vector<512x500xf32>
    %swap3A = arith.constant 0 : index
    %swap3A_21 = arith.constant 0 : index
    %swap3A_22 = vector.load %arg4[%swap3A, %swap3A_21] : memref<512x500xf32, #tpu.memory_space<vmem>>, vector<512x500xf32>
    tpu.vector_store %arg4[%swap3A, %swap3A_21], %dot_general3A_20 {strides = array<i32>} : memref<512x500xf32, #tpu.memory_space<vmem>>, vector<512x500xf32>,
    %reduce_max3A = arith.constant dense<0xFF800000> : vector<512xf32>
    %reduce_max3A_23 = vector.multi_reduction <maximumf>, %dot_general3A_20, %reduce_max3A [1] : vector<512x500xf32> to vector<512xf32>
    %broadcast_in_dim3A_24 = vector.shape_cast %reduce_max3A_23 : vector<512xf32> to vector<512x1xf32>
    %iota3A = tpu.iota {dimensions = array<i32: 1>} : vector<512x500xi32>
    %eq3A = vector.broadcast %broadcast_in_dim3A_24 : vector<512x1xf32> to vector<512x500xf32>
    %eq3A_25 = arith.cmpf oeq, %dot_general3A_20, %eq3A : vector<512x500xf32>
    %jit3A = arith.constant 500 : i32
    %broadcast_in_dim3A_26 = vector.broadcast %jit3A : i32 to vector<512x500xi32>
    %select_n3A = arith.select %eq3A_25, %iota3A, %broadcast_in_dim3A_26 : vector<512x500xi1>, vector<512x500xi32>
    %reduce_min3A = arith.constant dense<2147483647> : vector<512xi32>
    %reduce_min3A_27 = vector.multi_reduction <minsi>, %select_n3A, %reduce_min3A [1] : vector<512x500xi32> to vector<512xi32>
    %broadcast_in_dim3A_28 = vector.shape_cast %reduce_min3A_27 : vector<512xi32> to vector<512x1xi32>
    %swap3A_29 = arith.constant 0 : index
    %swap3A_30 = arith.constant 0 : index
    %swap3A_31 = vector.load %arg5[%swap3A_29, %swap3A_30] : memref<512x1xi32, #tpu.memory_space<vmem>>, vector<512x1xi32>
    tpu.vector_store %arg5[%swap3A_29, %swap3A_30], %broadcast_in_dim3A_28 {strides = array<i32>} : memref<512x1xi32, #tpu.memory_space<vmem>>, vector<512x1xi32>,
    %eq3A_32 = vector.broadcast %broadcast_in_dim3A_28 : vector<512x1xi32> to vector<512x500xi32>
    %eq3A_33 = arith.cmpi eq, %iota3A, %eq3A_32 : vector<512x500xi32>
    %convert_element_type3A = arith.extui %eq3A_33 : vector<512x500xi1> to vector<512x500xi32>
    %convert_element_type3A_34 = arith.sitofp %convert_element_type3A : vector<512x500xi32> to vector<512x500xf32>
    %dot_general3A_35 = arith.constant dense<0.000000e+00> : vector<512x768xf32>
    %dot_general3A_36 = tpu.matmul %convert_element_type3A_34, %get3A_1, %dot_general3A_35 {dimension_numbers = #tpu.dot_dimension_numbers<[1], [0], [0], [1], [0, 0, 1, 1], [], []>, transpose_lhs_hint = false} : vector<512x500xf32>, vector<500x768xf32>, vector<512x768xf32> -> vector<512x768xf32>
    %add3A = arith.addf %dot_general3A_36, %get3A_9 : vector<512x768xf32>
    %swap3A_37 = arith.constant 0 : index
    %swap3A_38 = arith.constant 0 : index
    %swap3A_39 = vector.load %arg3[%swap3A_37, %swap3A_38] : memref<512x768xf32, #tpu.memory_space<vmem>>, vector<512x768xf32>
    tpu.vector_store %arg3[%swap3A_37, %swap3A_38], %add3A {strides = array<i32>} : memref<512x768xf32, #tpu.memory_space<vmem>>, vector<512x768xf32>,
    %eq3A_40 = arith.constant 0 : i32
    %eq3A_41 = arith.cmpi eq, %arg0, %eq3A_40 : i32
    %convert_element_type3A_42 = arith.extui %eq3A_41 : i1 to i32
    %cond3A = arith.constant 0 : i32
    %cond3A_43 = arith.cmpi ne, %convert_element_type3A_42, %cond3A : i32
    scf.if %cond3A_43 {
      %broadcast_in_dim3A_56 = arith.constant 0.000000e+00 : f32
      %broadcast_in_dim3A_57 = vector.broadcast %broadcast_in_dim3A_56 : f32 to vector<1x1xf32>
      %swap3A_58 = arith.constant 0 : index
      %swap3A_59 = arith.constant 0 : index
      %swap3A_60 = vector.load %arg6[%swap3A_58, %swap3A_59] : memref<1x1xf32, #tpu.memory_space<vmem>>, vector<1x1xf32>
      tpu.vector_store %arg6[%swap3A_58, %swap3A_59], %broadcast_in_dim3A_57 {strides = array<i32>} : memref<1x1xf32, #tpu.memory_space<vmem>>, vector<1x1xf32>,
    } else {
    }
    %get3A_44 = arith.constant 0 : index
    %get3A_45 = arith.constant 0 : index
    %get3A_46 = vector.load %arg6[%get3A_44, %get3A_45] : memref<1x1xf32, #tpu.memory_space<vmem>>, vector<1x1xf32>
    %reduce_sum3A_47 = vector.shape_cast %broadcast_in_dim3A_24 : vector<512x1xf32> to vector<1x512x1xf32>
    %reduce_sum3A_48 = arith.constant dense<0.000000e+00> : vector<1xf32>
    %reduce_sum3A_49 = vector.multi_reduction <add>, %reduce_sum3A_47, %reduce_sum3A_48 [1, 2] : vector<1x512x1xf32> to vector<1xf32>
    %reduce_sum3A_50 = vector.shape_cast %reduce_sum3A_49 : vector<1xf32> to vector<1x1x1xf32>
    %reduce_sum3A_51 = vector.extract %reduce_sum3A_50[0, 0, 0] : f32 from vector<1x1x1xf32>
    %reshape3A = vector.broadcast %reduce_sum3A_51 : f32 to vector<1x1xf32>
    %add3A_52 = arith.addf %get3A_46, %reshape3A : vector<1x1xf32>
    %swap3A_53 = arith.constant 0 : index
    %swap3A_54 = arith.constant 0 : index
    %swap3A_55 = vector.load %arg6[%swap3A_53, %swap3A_54] : memref<1x1xf32, #tpu.memory_space<vmem>>, vector<1x1xf32>
    tpu.vector_store %arg6[%swap3A_53, %swap3A_54], %add3A_52 {strides = array<i32>} : memref<1x1xf32, #tpu.memory_space<vmem>>, vector<1x1xf32>,
    return
  }
  func.func @transform_0(%arg0: i32) -> (i32, i32) {
    %c0_i32 = arith.constant 0 : i32
    %c0_i32_0 = arith.constant 0 : i32
    return %arg0, %c0_i32 : i32, i32
  }
  func.func @transform_1(%arg0: i32) -> (i32, i32) {
    %c0_i32 = arith.constant 0 : i32
    %c0_i32_0 = arith.constant 0 : i32
    %c0_i32_1 = arith.constant 0 : i32
    return %c0_i32, %c0_i32_0 : i32, i32
  }
  func.func @transform_2(%arg0: i32) -> (i32, i32) {
    %c0_i32 = arith.constant 0 : i32
    %c0_i32_0 = arith.constant 0 : i32
    return %arg0, %c0_i32 : i32, i32
  }
  func.func @transform_3(%arg0: i32) -> (i32, i32) {
    %c0_i32 = arith.constant 0 : i32
    %c0_i32_0 = arith.constant 0 : i32
    return %arg0, %c0_i32 : i32, i32
  }
  func.func @transform_4(%arg0: i32) -> (i32, i32) {
    %c0_i32 = arith.constant 0 : i32
    %c0_i32_0 = arith.constant 0 : i32
    return %arg0, %c0_i32 : i32, i32
  }
  func.func @transform_5(%arg0: i32) -> (i32, i32) {
    %c0_i32 = arith.constant 0 : i32
    %c0_i32_0 = arith.constant 0 : i32
    %c0_i32_1 = arith.constant 0 : i32
    return %c0_i32, %c0_i32_0 : i32, i32
  }
}

</mosaic_0001>

<sc_bundles>
// kernel: sparse-core-data-format-call.cloned.1.call-start
scs
called_computation_lowered:
.L_overlay_start_0:
0x0: {  	s2 =	sld [smem:$0x3FD9]  }
0x1: {  	s3 =	sld [smem:$0x3FFE];
	_ =	sdelay $0x1  }
0x2: {  	s1 =	srdreg.scid  }
0x3: {  	s0 =	sand.u32 $0x1, s1  }
0x4: {  	s15 =	sshll.u32 s0, $0xA;
	s2 =	sadd.s32 s3, s2  }
0x5: {  	s2 =	sadd.s32 s2, s15  }
0x6: {  	[smem:$0x3FC6] =	sst s2  }
0x7: {  	_ = 	snop  }
0x8: {  	s2 =	sld [smem:$0x3FD0];
	_ =	sdelay $0x2  }
0x9: {  	s16 =	simm.s32 $0xA;
	s4 =	simm.s32 $0x10  }
0xa: {  	[smem:s4], [sflag:s16] =	dma.local [hbm:s2], $0x1  }
0xb: {  	_ =	swait.eq [sflag:s16], $0x1  }
0xc: {  	[sflag:s16] =	ssyncset.done $0x0  }
0xd: {  	[sflag:s16] =	ssyncadd.s32 $0xFFFFFFFF  }
0xe: {  	s17 =	sld [smem:$0x12];
	(tm) =	ssettm $0x1  }
0xf: {  	s18 =	sld [smem:$0x3FFB];
	_ =	sdelay $0x3  }
0x10: {  	_ =	strace s18  }
0x11: {  	s3 =	sld [smem:$0x3FFC];
	_ =	sdelay $0x3  }
0x12: {  	_ =	strace s3  }
0x13: {  	s3 =	sld [smem:$0x3FFD];
	_ =	sdelay $0x3  }
0x14: {  	_ =	strace s3  }
0x15: {  	_ =	strace $0x8FFFFFFF  }
0x16: {  	s19 =	sld [smem:$0x3FDB];
	_ =	sdelay $0x1  }
0x17: {  	s20 =	simm.s32 $_scs_section_size  }
0x18: {  	s5 =	simm.s32 $_size__tile_overlayer_lowered;
	s6 =	simm.s32 $_tile_overlayer_lowered  }
0x19: {  	s23 =	simm.s32 $0x1BFF;
	s22 =	sshll.u32 s6, $0x1;
	s3 =	sadd.s32 s20, s19  }
0x1a: {  	s7 =	simm.s32 $0x0;
	s21 =	sshll.u32 s5, $0x1;
	s5 =	sadd.s32 s22, s3  }
0x1b: {  	[timem:s7], [sflag:s23] =	dma.local [hbm:s5], s21  }
0x1c: {  	_ =	swait.ge [sflag:s23], s21  }
0x1d: {  	s4 =	ssub.s32 $0x0, s21;
	[sflag:s23] =	ssyncset.done $0x0  }
0x1e: {  	[sflag:s23] =	ssyncadd.s32 s4;
	_ =	sdelay $0x1  }
0x1f: {  	s24 =	simm.s32 $0x1B8B  }
0x20: {  	_ =	swait.ge [sflag:s24], $0x1  }
0x21: {  	[sflag:s24] =	ssyncset.done $0x0  }
0x22: {  	s26 =	simm.s32 $0x1B8E;
	s25 =	sld [smem:$0x3FFE];
	[sflag:s24] =	ssyncadd.s32 $0xFFFFFFFF  }
0x23: {  	s27 =	simm.s32 $execute0_lowered;
	[smem:$0x3FD2] =	sst s26  }
0x24: {  	s5 =	sshll.u32 s27, $0x1;
	_ =	strace $0x80000046;
	[dreg:$0x1] =	wrdreg $0xFFFFFFFF  }
0x25: {  	s28 =	simm.s32 $_size_execute0_lowered;
	s3 =	sadd.s32 s3, s5;
	[dreg:$0x0] =	wrdreg $0x0  }
0x26: {  	s5 =	sshll.u32 s28, $0x1;
	[dreg:$0x2] =	wrdreg s3  }
0x27: {  	[dreg:$0x3] =	wrdreg s5  }
0x28: {  	[dreg:$0x4] =	wrdreg $0xC0  }
0x29: {  	_ =	task [dreg:s7], $0x5FFFF  }
0x2a: {  	[dreg:$0x1] =	wrdreg $0xFFFFFFFF  }
0x2b: {  	[dreg:$0x0] =	wrdreg $0x60  }
0x2c: {  	[dreg:$0x2] =	wrdreg s25  }
0x2d: {  	[dreg:$0x3] =	wrdreg s17  }
0x2e: {  	[dreg:$0x4] =	wrdreg $0x9  }
0x2f: {  	_ =	task.clear_ibuf [dreg:s7], $0x5FFFF;
	_ =	strace $0x90000046  }
0x30: {  	s29 =	simm.s32 $0x9;
	_ =	strace $0x80000048  }
0x31: {  	_ =	swait.ge [sflag:s29], $0x1  }
0x32: {  	[sflag:s29] =	ssyncadd.s32 $0xFFFFFFFF  }
0x33: {  	_ =	strace $0x90000048  }
0x34: {  	_ =	sfence  }
0x35: {  	s30 =	sld [smem:$0x0];
	_ =	sdelay $0x2  }
0x36: {  	s31 =	sshll.u32 s1, $0xD;
	s1 =	sshrl.u32 s1, $0x2  }
0x37: {  	s3 =	sand.u32 $0x4000, s31;
	s1 =	sadd.s32 s1, s30  }
0x38: {  	s0 =	sor.u32 s3, s0;
	s1 =	sshll.u32 s1, $0x11  }
0x39: {  	s0 =	sor.u32 s1, s0  }
0x3a: {  	s0 =	sadd.s32 $0x8F2B, s0  }
0x3b: {  	[sflag:s0] =	ssyncadd.remote.s32 $0x1  }
0x3c: {  	_ =	sfence.sel $0xFFFF  }
0x3d: {  	[dreg:$0x0] =	wrdreg $0xFFFFFFFF;
	(pc) =	sbr.abs _section_cstart, $3  }
0x3e: {  	[dreg:$0x1] =	wrdreg $0xFFFFFFFF  }
0x3f: {  	_ =	task.clear_ibuf [dreg:s7], $0x2FFFF;
	_ =	strace $0x9FFFFFFF  }
0x40: {  	(tm) =	ssettm $0x7FFFFFFF  }
0x41: {  	_ =	shalt  }
tec
execute0_lowered:
.L_overlay_start_1:
0x0: {  	(tag) =	ssettag $0x1  }
0x1: {  	s0 =	stileid.u32;
	s4 =	rddreg [dreg:$0x0]  }
0x2: {  	s1 =	srdreg.scid;
	s3 =	rddreg [dreg:$0x1];
	s7 =	simm.s32 $0x1  }
0x3: {  	s31 =	simm.s32 $0x2;
	s18 =	simm.s32 $0x0;
	s9 =	simm.s32 $0x8000  }
0x4: {  	s17 =	simm.s32 $0x0;
	s2 =	sshll.u32 s0, $0x5;
	s1 =	sshll.u32 s1, $0x9  }
0x5: {  	s19 =	simm.s32 $0x0;
	s10 =	simm.s32 $0x0;
	s1 =	sor.u32 s2, s1  }
0x6: {  	s11 =	simm.s32 $0x0;
	s12 =	simm.s32 $0x0;
	s2 =	sand.u32 $0x380, s1  }
0x7: {  	s13 =	simm.s32 $0x0;
	s16 =	simm.s32 $0x0;
	s5 =	ssub.s32 $0x2000, s2  }
0x8: {  	s4 =	sadd.s32 $0x400, s4;
	s1 =	rddreg [dreg:$0x2];
	s6 =	sand.u32 $0x380, s5  }
.Ltmp0:
0x9: {  	_ =	strace $0x80000047;
	p0 =	sne.s32 s6, $0x0;
	(pc) =	sbr.rel .LBB1_1-.Ltmp0, $4  }
0xa: {  	s14 =	smov.u32 s2;
	s8 =	sshrl.u32 s5, $0xA;
	s7 =	simm.s32 @!p0 $0x0  }
0xb: {  	s5 =	sand.u32 $0x3, s0;
	s6 =	simm.s32 $0x1;
	s7 =	sadd.s32 s7, s8  }
0xc: {  	s15 =	smov.u32 s5;
	[sflag:s6] =	ssyncpa.u1 $0x0;
	s7 =	sshll.u32 s7, $0x2  }
0xd: {  	p0 =	por $0x0, $0x0;
	[sflag:s31] =	ssyncpa.u1 $0x0;
	s8 =	sor.u32 $0x1, s7  }
.LBB1_4:
0xe: {  	s24 =	sshra.s32 s24, $0x2  }
0xf: {  	s25 =	sshll.u32 s12, $0x7;
	s30 =	sand.u32 $0x78, s11;
	p2 =	sgt.s32 s12, $0x3  }
0x10: {  	s26 =	sshra.s32 s12, $0x1F;
	p1 =	sgt.s32 s10, $0x174;
	s27 =	sshra.s32 s11, $0x1F  }
0x11: {  	s31 =	sshra.s32 s10, $0x1F;
	s23 =	sadd.s32 s24, s23;
	s25 =	sand.u32 $0x180, s25  }
0x12: {  	s26 =	sand.u32 s26, s12;
	s24 =	sor.u32 s25, s30;
	s25 =	smov.u32 s12  }
0x13: {  	v5 =	vld [tilespmem:s21+$0xFFFFFFD0];
	s27 =	sand.u32 s27, s11;
	s30 =	sshll.u32 s11, $0x2;
	s25 =	simm.s32 @!p2 $0x3  }
0x14: {  	[tilespmem:s22+$0x2040 ss:$0x81] =	vst.msk $0xffff, v4;
	v58 =	vld [tilespmem:s21+$0xFFFFFFE0];
	p2 =	sgt.s32 s11, $0x1F80;
	s25 =	ssub.s32 s25, s26;
	s26 =	smov.u32 s11  }
0x15: {  	[tilespmem:s22+$0x2850 ss:$0x81] =	vst.msk $0xffff, v3;
	v59 =	vld [tilespmem:s21+$0xFFFFFFF0];
	s28 =	sadd.s32 $0xFFFFFFFD, s25;
	s26 =	simm.s32 @!p2 $0x1F80;
	s25 =	ssub.s32 $0x4, s25  }
0x16: {  	[tilespmem:s22+$0x3060 ss:$0x81] =	vst.msk $0xffff, v2;
	v60 =	vld [tilespmem:s21+$0x0];
	p2 =	sgt.s32 s28, $0x0;
	s28 =	smov.u32 s10;
	s26 =	ssub.s32 s26, s27  }
0x17: {  	[tilespmem:s22+$0x0 ss:$0x81] =	vst.msk $0xffff, v1;
	v61 =	vld [tilespmem:s21+$0x10];
	s27 =	sand.u32 s31, s10;
	s31 =	sand.u32 $0x1E00, s30;
	s28 =	simm.s32 @!p1 $0x174  }
0x18: {  	v62 =	vld [tilespmem:s21+$0x20];
	[tilespmem:s23+$0x3870 ss:$0x81] =	vst.msk $0xffff, v0;
	s25 =	simm.s32 @p2 $0x0;
	s22 =	ssub.s32 s28, s27;
	s28 =	sadd.s32 $0xFFFFE080, s26  }
0x19: {  	v63 =	vld [tilespmem:s21+$0xFFFFFFC0];
	[tilespmem:s23+$0x810 ss:$0x81] =	vst.msk $0xffff, v5;
	s21 =	sor.u32 s31, s24;
	s26 =	ssub.s32 $0x2000, s26;
	p1 =	sgt.s32 s28, $0x7F  }
0x1a: {  	[tilespmem:s23+$0x1020 ss:$0x81] =	vst.msk $0xffff, v58;
	s27 =	sshll.u32 s10, $0xC;
	s29 =	sadd.s32 $0xFFFFFE8C, s22;
	s26 =	simm.s32 @p1 $0x0  }
0x1b: {  	[tilespmem:s23+$0x1830 ss:$0x81] =	vst.msk $0xffff, v59;
	s22 =	ssub.s32 $0x1F4, s22;
	p1 =	sgt.s32 s29, $0x7F;
	s25 =	smul.u32 s25, s26  }
0x1c: {  	[tilespmem:s23+$0x2040 ss:$0x81] =	vst.msk $0xffff, v60;
	s28 =	sshrl.u32 s11, $0x1;
	s24 =	sadd.s32 s3, s27;
	s22 =	simm.s32 @p1 $0x0  }
0x1d: {  	[tilespmem:s23+$0x2850 ss:$0x81] =	vst.msk $0xffff, v61;
	s29 =	sand.u32 $0x7, s11;
	s22 =	smul.u32 s22, s25;
	s25 =	sand.u32 $0xC00, s28  }
0x1e: {  	[tilespmem:s23+$0x3060 ss:$0x81] =	vst.msk $0xffff, v62;
	s21 =	sshrl.u32 s21, $0x3;
	s30 =	sshll.u32 s29, $0x12;
	s24 =	sadd.s32 s25, s24  }
0x1f: {  	[tilespmem:s23+$0x0 ss:$0x81] =	vst.msk $0xffff, v63;
	s31 =	sor.u32 $0x80, s30;
	s22 =	sand.u32 $0x3FFFFFFF, s22;
	s21 =	sadd.s32 s21, s24  }
0x20: {  	[hbm4b:s21+s31] =	stream.strided.scatter [tilespmem:s20], [sflag:$0x2], s22, s9, s31, $0x20;
	[tilespmem:$0x10100] =	vst v63  }
.LBB1_5:
0x21: {  	p1 =	slt.u32 s16, $0x2;
	s21 =	smov.u32 s19  }
0x22: {  	p2 =	sgt.s32 @!p1 s18, $0x174;
	s20 =	sshra.s32 @!p1 s18, $0x1F;
	p3 =	sgt.s32 @!p1 s19, $0x3  }
0x23: {  	s22 =	sshra.s32 @!p1 s19, $0x1F;
	p2 =	por !p2, p1;
	s20 =	sand.u32 @!p1 s20, s18  }
0x24: {  	p3 =	por !p3, p1;
	s19 =	sand.u32 @!p1 s22, s19;
	s22 =	sshra.s32 @!p1 s17, $0x1F  }
0x25: {  	s21 =	simm.s32 @p3 $0x3;
	p3 =	sgt.s32 @!p1 s17, $0x1F80;
	s18 =	simm.s32 @p2 $0x174  }
0x26: {  	s19 =	ssub.s32 @!p1 s21, s19;
	p3 =	por !p3, p1;
	s21 =	smov.u32 s17  }
0x27: {  	s17 =	sand.u32 @!p1 s22, s17;
	s18 =	ssub.s32 @!p1 s18, s20;
	s21 =	simm.s32 @p3 $0x1F80  }
0x28: {  	s20 =	sadd.s32 @!p1 $0xFFFFFFFD, s19;
	s19 =	ssub.s32 @!p1 $0x4, s19;
	s17 =	ssub.s32 @!p1 s21, s17  }
0x29: {  	s21 =	sadd.s32 @!p1 $0xFFFFFE8C, s18;
	p2 =	sgt.s32 @!p1 s20, $0x0;
	s20 =	sadd.s32 @!p1 $0xFFFFE080, s17  }
0x2a: {  	s18 =	ssub.s32 @!p1 $0x1F4, s18;
	p2 =	por !p2, p1;
	p3 =	sgt.s32 @!p1 s20, $0x7F  }
0x2b: {  	s17 =	ssub.s32 @!p1 $0x2000, s17;
	s19 =	simm.s32 @!p2 $0x0;
	p2 =	por !p3, p1  }
0x2c: {  	s20 =	sadd.s32 $0x80, s13;
	p3 =	sgt.s32 @!p1 s21, $0x7F;
	s17 =	simm.s32 @!p2 $0x0  }
0x2d: {  	s21 =	smov.u32 s14;
	p2 =	por !p3, p1;
	s17 =	smul.u32 @!p1 s19, s17  }
0x2e: {  	s18 =	simm.s32 @!p2 $0x0;
	p2 =	sgt.s32 s20, $0x1F3;
	s19 =	sadd.s32 $0x400, s14  }
0x2f: {  	s22 =	smov.u32 s15;
	s21 =	smov.u32 @p2 s19  }
0x30: {  	s17 =	smul.u32 @!p1 s18, s17;
	p3 =	sgt.s32 s21, $0x1FFF;
	s18 =	sadd.s32 $0x4, s15  }
0x31: {  	p0 =	por !p0, !p0;
	s23 =	simm.s32 @!p1 $0x2;
	s22 =	smov.u32 @p3 s18  }
0x32: {  	s20 =	simm.s32 @p2 $0x0;
	s19 =	smov.u32 s12;
	p2 =	sgt.s32 s22, $0x3  }
0x33: {  	s12 =	smov.u32 s15;
	s22 =	smov.u32 @p2 s5;
	p2 =	sne.s32 s16, s8  }
.Ltmp1:
0x34: {  	s21 =	smov.u32 @p3 s2;
	s18 =	smov.u32 s10;
	(pc) =	sbr.rel @!p2 .LBB1_6-.Ltmp1, $4  }
0x35: {  	s10 =	smov.u32 s13;
	s13 =	smov.u32 s20;
	s17 =	sand.u32 @!p1 $0x3FFFFFFF, s17  }
0x36: {  	_ =	swait.ge @!p1 [sflag:s23], s17;
	s24 =	ssub.s32 @!p1 $0x0, s17;
	s17 =	smov.u32 s11  }
0x37: {  	s16 =	sadd.s32 $0x1, s16;
	s11 =	smov.u32 s14;
	[sflag:s23] =	ssyncset.done @!p1 $0x0  }
0x38: {  	s14 =	smov.u32 s21;
	s15 =	smov.u32 s22;
	[sflag:s23] =	ssyncadd.s32 @!p1 s24  }
.LBB1_1:
0x39: {  	p1 =	sge.u32 s16, s7  }
0x3a: {  	s31 =	sadd.s32 $0xFFFFFFFF, s16;
	s20 =	sxor.u32 @!p1 $0xFFFFFFFF, s16  }
0x3b: {  	s21 =	sshll.u32 @!p1 s14, $0x9;
	s22 =	sshll.u32 @!p1 s13, $0x3;
	s23 =	sshll.u32 @!p1 s14, $0x7  }
0x3c: {  	s24 =	sand.u32 @!p1 $0x78, s13;
	s21 =	sand.u32 @!p1 $0x3FF000, s21;
	s22 =	sand.u32 @!p1 $0x3FFC00, s22  }
0x3d: {  	s20 =	sshll.u32 @!p1 s20, $0xE;
	s21 =	sadd.s32 @!p1 s21, s22;
	s22 =	sand.u32 @!p1 $0x200, s23  }
0x3e: {  	s20 =	sand.u32 @!p1 $0x4000, s20;
	s21 =	sor.u32 @!p1 s22, s21;
	s22 =	sand.u32 @!p1 $0x180, s23  }
0x3f: {  	s23 =	sshll.u32 @!p1 s15, $0x13;
	s22 =	sor.u32 @!p1 s24, s22;
	s21 =	sshrl.u32 @!p1 s21, $0x3  }
0x40: {  	s23 =	sadd.s32 @!p1 s4, s23;
	s24 =	sand.u32 @!p1 $0x7, s13;
	s22 =	sshrl.u32 @!p1 s22, $0x3  }
0x41: {  	s21 =	sand.u32 @!p1 $0x7FFC0, s21;
	s22 =	sadd.s32 @!p1 s22, s23;
	s23 =	sshll.u32 @!p1 s24, $0x12  }
0x42: {  	s21 =	sadd.s32 @!p1 s21, s22;
	s22 =	sor.u32 @!p1 $0x400, s23;
	s23 =	simm.s32 @!p1 $0x1000  }
0x43: {  	[tilespmem:s20], [sflag:$0x1] =	stream.strided.gather @!p1 [hbm4b:s21+s22], $0x4000, s23, s22, $0x38;
	[tilespmem:$0x10100] =	vst v63  }
0x44: {  	p1 =	sge.u32 s31, s7  }
.Ltmp2:
0x45: {  	_ = 	snop;
	(pc) =	sbr.rel @p1 .LBB1_5-.Ltmp2, $1  }
0x46: {  	_ =	sdelay $0x3  }
0x47: {  	s20 =	simm.s32 $0x1  }
0x48: {  	_ =	swait.ge [sflag:s6], $0x4000;
	s20 =	simm.s32 @!p0 $0x0  }
0x49: {  	[sflag:s6] =	ssyncset.done $0x0;
	s21 =	sshll.u32 s20, $0xE  }
0x4a: {  	[sflag:s6] =	ssyncadd.s32 $0xFFFFC000;
	s21 =	sor.u32 $0x40, s21  }
0x4b: {  	s20 =	smul.u32 $0x10200, s20;
	v0 =	vld [tilespmem:s21+$0x30]  }
0x4c: {  	v1 =	vld [tilespmem:s21+$0xFFFFFFD0]  }
0x4d: {  	s20 =	sshrl.u32 s20, $0x2;
	v5 =	vld [tilespmem:s21+$0xFFFFFFE0]  }
0x4e: {  	v6 =	vld [tilespmem:s21+$0xFFFFFFF0];
	s23 =	sor.u32 $0x8000, s20  }
0x4f: {  	s31 =	sand.u32 $0x1, s16;
	v4 =	vld [tilespmem:s21+$0x0];
	s22 =	sadd.s32 $0x0, s23  }
0x50: {  	v3 =	vld [tilespmem:s21+$0x10];
	s20 =	smul.u32 $0x10200, s31;
	[tilespmem:s22+$0x3870 ss:$0x81] =	vst.msk $0xffff, v0  }
0x51: {  	v2 =	vld [tilespmem:s21+$0x20];
	[tilespmem:s22+$0x810 ss:$0x81] =	vst.msk $0xffff, v1  }
0x52: {  	s20 =	sshrl.u32 s20, $0x2;
	v1 =	vld [tilespmem:s21+$0xFFFFFFC0];
	[tilespmem:s22+$0x1020 ss:$0x81] =	vst.msk $0xffff, v5;
	s21 =	sadd.s32 $0x80, s21  }
0x53: {  	s24 =	simm.s32 $0x4;
	s25 =	simm.s32 $0x8;
	s20 =	sor.u32 $0x8000, s20;
	[tilespmem:s22+$0x1830 ss:$0x81] =	vst.msk $0xffff, v6;
	v0 =	vld [tilespmem:s21+$0x30]  }
.LBB1_3:
0x54: {  	p1 =	sne.s32 s25, $0x1FC;
	v5 =	vld [tilespmem:s21+$0xFFFFFFD0];
	[tilespmem:s22+$0x2040 ss:$0x81] =	vst.msk $0xffff, v4  }
0x55: {  	v6 =	vld [tilespmem:s21+$0xFFFFFFE0];
	[tilespmem:s22+$0x2850 ss:$0x81] =	vst.msk $0xffff, v3  }
0x56: {  	s26 =	sshra.s32 s24, $0x2;
	s24 =	smov.u32 s25;
	v7 =	vld [tilespmem:s21+$0xFFFFFFF0];
	[tilespmem:s22+$0x3060 ss:$0x81] =	vst.msk $0xffff, v2  }
.Ltmp3:
0x57: {  	v4 =	vld [tilespmem:s21+$0x0];
	[tilespmem:s22+$0x0 ss:$0x81] =	vst.msk $0xffff, v1;
	s22 =	sadd.s32 s26, s23;
	(pc) =	sbr.rel @p1 .LBB1_3-.Ltmp3, $4  }
0x58: {  	v3 =	vld [tilespmem:s21+$0x10];
	[tilespmem:s22+$0x3870 ss:$0x81] =	vst.msk $0xffff, v0  }
0x59: {  	[tilespmem:s22+$0x810 ss:$0x81] =	vst.msk $0xffff, v5;
	v2 =	vld [tilespmem:s21+$0x20]  }
0x5a: {  	v1 =	vld [tilespmem:s21+$0xFFFFFFC0];
	[tilespmem:s22+$0x1020 ss:$0x81] =	vst.msk $0xffff, v6;
	s21 =	sadd.s32 $0x80, s21  }
0x5b: {  	s25 =	sadd.s32 $0x4, s25;
	v0 =	vld [tilespmem:s21+$0x30];
	[tilespmem:s22+$0x1830 ss:$0x81] =	vst.msk $0xffff, v7  }
.Ltmp4:
0x5c: {  	_ = 	snop;
	(pc) =	sbr.rel .LBB1_4-.Ltmp4, $1  }
0x5d: {  	_ =	sdelay $0x3  }
.LBB1_6:
0x5e: {  	_ =	sfence.sel $0x180000  }
0x5f: {  	s2 =	simm.s32 $0x1;
	[bflag:$0x0] =	sbarrier.arrive $0xFFFF  }
0x60: {  	s31 =	simm.s32 $0x2;
	[sflag:s2] =	ssyncpa.u1 $0x1  }
0x61: {  	[sflag:s31] =	ssyncpa.u1 $0x1  }
0x62: {  	p0 =	sne.s32 s0, $0x0;
	_ =	strace $0x90000047  }
0x63: {  	s0 =	sadd.s32 @!p0 $0x100000, s1;
	[bflag:$0x2] =	sbarrier.arrive $0xFFFF  }
0x64: {  	[sflag:s0] =	ssyncadd.tile.s32 @!p0 $0x1;
	_ =	shalt  }
.Lfunc_end1:
_tile_overlayer_lowered:
.L_overlay_start_2:
0x65: {  	(tag) =	ssettag $0x2  }
0x66: {  	s0 =	rddreg [dreg:$0x0];
	s2 =	stileid.u32  }
0x67: {  	s1 =	rddreg [dreg:$0x1];
	p0 =	sne.s32 s2, $0x0  }
0x68: {  	s3 =	rddreg [dreg:$0x2];
	[bflag:$0x3] =	sbarrier.arrive $0xFFFF;
	s2 =	simm.s32 @!p0 $0x1C01  }
0x69: {  	[timem:s3], [sflag:s2] =	dma.local @!p0 [hbm:s0], s1  }
0x6a: {  	s0 =	simm.s32 @!p0 $0x1  }
0x6b: {  	_ =	swait.ge @!p0 [sflag:s0], s1  }
0x6c: {  	s1 =	ssub.s32 @!p0 $0x0, s1;
	[sflag:s0] =	ssyncset.done @!p0 $0x0  }
0x6d: {  	[sflag:s0] =	ssyncadd.s32 @!p0 s1  }
0x6e: {  	[bflag:$0x3] =	sbarrier.arrive $0xFFFF  }
0x6f: {  	_ =	shalt  }

</sc_bundles>
